<compile_context>
chip_gen: v7x
topology: tpu7x:2x2x1
jax: 0.10.2.dev20260603
libtpu: 0.0.44.dev20260713+nightly
codegen_flags: <defaults>
</compile_context>

<pallas_src>
import functools

import jax
import jax.numpy as jnp
from jax import lax
from jax.experimental import pallas as pl
from jax.experimental.pallas import tpu as pltpu
from jax.experimental.pallas import tpu_sc as plsc

_NW = 32


def _sc_gather_body(xf_hbm, idx_hbm, p_hbm, idx_v, pick_v, sem):
    wid = lax.axis_index("s") * 2 + lax.axis_index("c")
    pltpu.sync_copy(idx_hbm.at[wid], idx_v)
    pltpu.async_copy(xf_hbm.at[idx_v], pick_v, sem).wait()
    pltpu.sync_copy(pick_v, p_hbm.at[wid])


def _tc_body(x_ref, len_ref, w_ref, p_ref, lw_ref, ww_ref,
             mu_ref, s2_ref, mup_ref, s2p_ref,
             ce_ref, kl_ref, acc_ref, c_ref, *, nt, batch, t_len, rpw):
    t = pl.program_id(0)
    x = x_ref[0]

    s = jnp.sum(jnp.exp(x), axis=0)
    lse = jnp.log(s)

    w = w_ref[0]
    lengths = len_ref[0] - 1
    valid = t < lengths

    @pl.when(t == 0)
    def _():
        acc_ref[0] = 0.0
        c_ref[0] = 0.0
        mu = mu_ref[...]
        s2 = s2_ref[...]
        mup = mup_ref[...]
        s2p = s2p_ref[...]
        kl_terms = (1.0 + s2 - s2p - jnp.exp(s2 - s2p)
                    - (mu - mup) ** 2 * jnp.exp(-s2p))
        kl_ref[0, 0] = -0.5 * jnp.sum(kl_terms) / batch

    acc_ref[0] += jnp.sum(jnp.where(valid, lse * w, 0.0))
    c_ref[0] += jnp.sum(jnp.where(valid, 1.0, 0.0))

    @pl.when(t == nt - 1)
    def _():
        p = p_ref[...]
        lw = lw_ref[...]
        ww = ww_ref[...]
        jmat = lax.broadcasted_iota(jnp.int32, p.shape, 1)
        wmat = lax.broadcasted_iota(jnp.int32, p.shape, 0)
        tmat = (wmat * rpw + jmat) % t_len
        ok = (jmat < rpw) & (tmat < lw - 1)
        wp = jnp.sum(jnp.where(ok, p * ww, 0.0))
        ce_ref[0, 0] = -(wp - acc_ref[0]) / c_ref[0]


def kernel(logit, mu, sigma2, mu_pri, sigma2_pri, cap, cap_len, weight):
    B, T, V = logit.shape
    D = mu.shape[1]
    NR = B * T
    RPW = NR // _NW
    PAD = 80

    x_t = jnp.transpose(logit, (1, 2, 0))
    x_flat = x_t.reshape(T * V * B)

    len_r = cap_len.astype(jnp.int32).reshape(1, B)
    w_r = weight.reshape(1, B)

    tgt = cap.astype(jnp.int32)[:, 1:]
    b_idx = jnp.arange(B, dtype=jnp.int32)[:, None]
    t_idx = jnp.arange(T, dtype=jnp.int32)[None, :]
    flat_idx = (t_idx * (V * B) + tgt * B + b_idx).reshape(NR)
    idx_w = jnp.pad(flat_idx.reshape(_NW, RPW), ((0, 0), (0, PAD - RPW)))

    def to_worker(x2d):
        return jnp.pad(x2d.reshape(_NW, RPW), ((0, 0), (0, PAD - RPW)))

    len_w = to_worker(jnp.broadcast_to(
        cap_len.astype(jnp.int32)[:, None], (B, T)))
    w_w = to_worker(jnp.broadcast_to(weight[:, None], (B, T)))

    p_w = pl.kernel(
        _sc_gather_body,
        out_type=[jax.ShapeDtypeStruct((_NW, PAD), jnp.float32)],
        mesh=plsc.VectorSubcoreMesh(core_axis_name="c", subcore_axis_name="s"),
        scratch_types=[
            pltpu.VMEM((PAD,), jnp.int32),
            pltpu.VMEM((PAD,), jnp.float32),
            pltpu.SemaphoreType.DMA,
        ],
    )(x_flat, idx_w)[0]

    ce, kl = pl.pallas_call(
        functools.partial(_tc_body, nt=T, batch=B, t_len=T, rpw=RPW),
        grid=(T,),
        in_specs=[
            pl.BlockSpec((1, V, B), lambda i: (i, 0, 0)),
            pl.BlockSpec((1, B), lambda i: (0, 0)),
            pl.BlockSpec((1, B), lambda i: (0, 0)),
            pl.BlockSpec((_NW, PAD), lambda i: (0, 0)),
            pl.BlockSpec((_NW, PAD), lambda i: (0, 0)),
            pl.BlockSpec((_NW, PAD), lambda i: (0, 0)),
            pl.BlockSpec((B, D), lambda i: (0, 0)),
            pl.BlockSpec((B, D), lambda i: (0, 0)),
            pl.BlockSpec((B, D), lambda i: (0, 0)),
            pl.BlockSpec((B, D), lambda i: (0, 0)),
        ],
        out_specs=[
            pl.BlockSpec((1, 1), lambda i: (0, 0), memory_space=pltpu.SMEM),
            pl.BlockSpec((1, 1), lambda i: (0, 0), memory_space=pltpu.SMEM),
        ],
        out_shape=[
            jax.ShapeDtypeStruct((1, 1), jnp.float32),
            jax.ShapeDtypeStruct((1, 1), jnp.float32),
        ],
        scratch_shapes=[
            pltpu.SMEM((1,), jnp.float32),
            pltpu.SMEM((1,), jnp.float32),
        ],
    )(x_t, len_r, w_r, p_w, len_w, w_w, mu, sigma2, mu_pri, sigma2_pri)

    return (ce.reshape(()), kl.reshape(()))

# --- scband reference (transcript-rebuilt; emitter-appended) ---
"""Pipeline reference for scband-ce-kl-weighted-1-17609365913774 (READ-ONLY COPY).

The authoritative reference and input builder live on the scoring server;
editing this copy changes nothing except your own understanding.
"""

import jax, jax.numpy as jnp
import numpy as np


def setup_inputs(seed: int = 0) -> dict:
    key = jax.random.key(seed)
    ks = jax.random.split(key, 8)
    B, T, V, D = 128, 19, 12000, 512
    logit = jax.random.normal(ks[0], (B, T, V), dtype=jnp.float32)
    mu = jax.random.normal(ks[1], (B, D), dtype=jnp.float32)
    sigma2 = jax.random.normal(ks[2], (B, D), dtype=jnp.float32)
    mu_pri = jax.random.normal(ks[3], (B, D), dtype=jnp.float32)
    sigma2_pri = jax.random.normal(ks[4], (B, D), dtype=jnp.float32)
    cap = jax.random.randint(ks[5], (B, T + 1), 0, V).astype(jnp.int64)
    # pack_padded_sequence requires lengths >= 1 after the cap_len - 1 shift,
    # so caption lengths are drawn from [2, T+1].
    cap_len = jax.random.randint(ks[6], (B,), 2, T + 2).astype(jnp.int64)
    weight = jax.random.uniform(ks[7], (B,), dtype=jnp.float32)
    return {"logit": logit, "mu": mu, "sigma2": sigma2, "mu_pri": mu_pri,
            "sigma2_pri": sigma2_pri, "cap": cap, "cap_len": cap_len, "weight": weight}


def reference(logit, mu, sigma2, mu_pri, sigma2_pri, cap, cap_len, weight):
    # target = cap[:, 1:] ; shift lengths by 1
    target = cap[:, 1:]
    lengths = cap_len - 1
    # LogSoftmax over vocab dim (dim=2)
    logp = jax.nn.log_softmax(logit, axis=2)
    # per-sample style weight broadcast over (T, V)
    wlogp = logp * weight[:, None, None]
    # NLL of packed (valid) timesteps == masked mean over valid (b, t)
    picked = jnp.take_along_axis(wlogp, target[:, :, None], axis=2)[:, :, 0]  # [B, T]
    T = logit.shape[1]
    mask = (jnp.arange(T)[None, :] < lengths[:, None]).astype(logit.dtype)  # [B, T]
    loss_ce = -(picked * mask).sum() / mask.sum()
    # KL between posterior N(mu, exp(sigma2)) and prior N(mu_pri, exp(sigma2_pri))
    loss_kl = -0.5 * jnp.sum(1.0 + sigma2 - sigma2_pri
                             - jnp.exp(sigma2) / jnp.exp(sigma2_pri)
                             - (mu - mu_pri) ** 2 / jnp.exp(sigma2_pri)) / mu.shape[0]
    return (loss_ce, loss_kl)

if __name__ == "__main__":
    import jax
    _d = setup_inputs()
    print(jax.jit(kernel)(*tuple(_d.values())))

</pallas_src>

<mosaic_0001>
#map = affine_map<(d0, d1) -> (0)>
#map1 = affine_map<(d0, d1) -> (0, 0)>
module attributes {stable_mosaic.version = 14 : i64} {
  func.func @_sc_gather_body(%arg0: i32, %arg1: i32, %arg2: memref<29184000xf32, #tpu.memory_space<hbm>>, %arg3: memref<32x80xi32, #tpu.memory_space<hbm>>, %arg4: memref<32x80xf32, #tpu.memory_space<hbm>>, %arg5: memref<80xi32, #tpu.memory_space<vmem>>, %arg6: memref<80xf32, #tpu.memory_space<vmem>>, %arg7: memref<!tpu.dma_semaphore, #tpu.memory_space<semaphore_mem>>) attributes {dimension_semantics = [#tpu.dimension_semantics<core_parallel>, #tpu.dimension_semantics<subcore_parallel>], iteration_bounds = array<i64: 2, 16>, scalar_prefetch = 0 : i64, scratch_operands = 3 : i64, tpu.core_type = #tpu.core_type<sc_vector_subcore>, window_params = [{transform_indices = #map}, {transform_indices = #map1}, {transform_indices = #map1}]} {
    %mul3A = arith.constant 2 : i32
    %mul3A_0 = arith.muli %arg1, %mul3A : i32
    %add3A = arith.addi %mul3A_0, %arg0 : i32
    "tpu.region"() ({
      %run_scoped3A = tpu.sem_alloc : memref<!tpu.dma_semaphore, #tpu.memory_space<semaphore_mem>>
      %dma_start3A_3 = arith.constant 0 : i32
      %dma_start3A_4 = tpu.memref_slice %arg3[%add3A, %dma_start3A_3] : memref<32x80xi32, #tpu.memory_space<hbm>> -> memref<1x80xi32, #tpu.memory_space<hbm>>
      %dma_start3A_5 = tpu.memref_squeeze %dma_start3A_4 : memref<1x80xi32, #tpu.memory_space<hbm>> -> memref<80xi32, #tpu.memory_space<hbm>>
      %dma_start3A_6 = arith.constant 0 : i32
      %dma_start3A_7 = tpu.memref_slice %arg3[%add3A, %dma_start3A_6] : memref<32x80xi32, #tpu.memory_space<hbm>> -> memref<1x80xi32, #tpu.memory_space<hbm>>
      %dma_start3A_8 = tpu.memref_squeeze %dma_start3A_7 : memref<1x80xi32, #tpu.memory_space<hbm>> -> memref<80xi32, #tpu.memory_space<hbm>>
      tpu.enqueue_dma source(%dma_start3A_8 : memref<80xi32, #tpu.memory_space<hbm>>) target(%arg5 : memref<80xi32, #tpu.memory_space<vmem>>) target_semaphore(%run_scoped3A : memref<!tpu.dma_semaphore, #tpu.memory_space<semaphore_mem>>)
      %dma_wait3A_9 = arith.constant 0 : i32
      %dma_wait3A_10 = tpu.memref_slice %arg3[%add3A, %dma_wait3A_9] : memref<32x80xi32, #tpu.memory_space<hbm>> -> memref<1x80xi32, #tpu.memory_space<hbm>>
      %dma_wait3A_11 = tpu.memref_squeeze %dma_wait3A_10 : memref<1x80xi32, #tpu.memory_space<hbm>> -> memref<80xi32, #tpu.memory_space<hbm>>
      %dma_wait3A_12 = arith.constant 0 : i32
      %dma_wait3A_13 = tpu.memref_slice %arg3[%add3A, %dma_wait3A_12] : memref<32x80xi32, #tpu.memory_space<hbm>> -> memref<1x80xi32, #tpu.memory_space<hbm>>
      %dma_wait3A_14 = tpu.memref_squeeze %dma_wait3A_13 : memref<1x80xi32, #tpu.memory_space<hbm>> -> memref<80xi32, #tpu.memory_space<hbm>>
      tpu.wait_dma2 semaphore(%run_scoped3A : memref<!tpu.dma_semaphore, #tpu.memory_space<semaphore_mem>>) src(%dma_wait3A_14 : memref<80xi32, #tpu.memory_space<hbm>>) dst(%arg5 : memref<80xi32, #tpu.memory_space<vmem>>)
      tpu.yield
    }) : () -> ()
    %dma_start3A = arith.constant 0 : i32
    %dma_start3A_1 = tpu.memref_slice %arg2[%dma_start3A] : memref<29184000xf32, #tpu.memory_space<hbm>> -> memref<29184000xf32, #tpu.memory_space<hbm>>
    tpu.enqueue_indirect_dma source(%dma_start3A_1 : memref<29184000xf32, #tpu.memory_space<hbm>>) target(%arg6 : memref<80xf32, #tpu.memory_space<vmem>>) offsets(%arg5 : memref<80xi32, #tpu.memory_space<vmem>>) semaphore(%arg7 : memref<!tpu.dma_semaphore, #tpu.memory_space<semaphore_mem>>)
    %dma_wait3A = arith.constant 0 : i32
    %dma_wait3A_2 = tpu.memref_slice %arg2[%dma_wait3A] : memref<29184000xf32, #tpu.memory_space<hbm>> -> memref<29184000xf32, #tpu.memory_space<hbm>>
    tpu.wait_indirect_dma semaphore(%arg7 : memref<!tpu.dma_semaphore, #tpu.memory_space<semaphore_mem>>) src(%dma_wait3A_2 : memref<29184000xf32, #tpu.memory_space<hbm>>) dst(%arg6 : memref<80xf32, #tpu.memory_space<vmem>>)
    "tpu.region"() ({
      %run_scoped3A = tpu.sem_alloc : memref<!tpu.dma_semaphore, #tpu.memory_space<semaphore_mem>>
      %dma_start3A_3 = arith.constant 0 : i32
      %dma_start3A_4 = tpu.memref_slice %arg4[%add3A, %dma_start3A_3] : memref<32x80xf32, #tpu.memory_space<hbm>> -> memref<1x80xf32, #tpu.memory_space<hbm>>
      %dma_start3A_5 = tpu.memref_squeeze %dma_start3A_4 : memref<1x80xf32, #tpu.memory_space<hbm>> -> memref<80xf32, #tpu.memory_space<hbm>>
      %dma_start3A_6 = arith.constant 0 : i32
      %dma_start3A_7 = tpu.memref_slice %arg4[%add3A, %dma_start3A_6] : memref<32x80xf32, #tpu.memory_space<hbm>> -> memref<1x80xf32, #tpu.memory_space<hbm>>
      %dma_start3A_8 = tpu.memref_squeeze %dma_start3A_7 : memref<1x80xf32, #tpu.memory_space<hbm>> -> memref<80xf32, #tpu.memory_space<hbm>>
      tpu.enqueue_dma source(%arg6 : memref<80xf32, #tpu.memory_space<vmem>>) target(%dma_start3A_8 : memref<80xf32, #tpu.memory_space<hbm>>) target_semaphore(%run_scoped3A : memref<!tpu.dma_semaphore, #tpu.memory_space<semaphore_mem>>)
      %dma_wait3A_9 = arith.constant 0 : i32
      %dma_wait3A_10 = tpu.memref_slice %arg4[%add3A, %dma_wait3A_9] : memref<32x80xf32, #tpu.memory_space<hbm>> -> memref<1x80xf32, #tpu.memory_space<hbm>>
      %dma_wait3A_11 = tpu.memref_squeeze %dma_wait3A_10 : memref<1x80xf32, #tpu.memory_space<hbm>> -> memref<80xf32, #tpu.memory_space<hbm>>
      %dma_wait3A_12 = arith.constant 0 : i32
      %dma_wait3A_13 = tpu.memref_slice %arg4[%add3A, %dma_wait3A_12] : memref<32x80xf32, #tpu.memory_space<hbm>> -> memref<1x80xf32, #tpu.memory_space<hbm>>
      %dma_wait3A_14 = tpu.memref_squeeze %dma_wait3A_13 : memref<1x80xf32, #tpu.memory_space<hbm>> -> memref<80xf32, #tpu.memory_space<hbm>>
      tpu.wait_dma2 semaphore(%run_scoped3A : memref<!tpu.dma_semaphore, #tpu.memory_space<semaphore_mem>>) src(%arg6 : memref<80xf32, #tpu.memory_space<vmem>>) dst(%dma_wait3A_14 : memref<80xf32, #tpu.memory_space<hbm>>)
      tpu.yield
    }) : () -> ()
    return
  }
}

module attributes {stable_mosaic.version = 14 : i64} {
  func.func @_tc_body(%arg0: i32, %arg1: memref<1x12000x128xf32, #tpu.memory_space<vmem>>, %arg2: memref<1x128xi32, #tpu.memory_space<vmem>>, %arg3: memref<1x128xf32, #tpu.memory_space<vmem>>, %arg4: memref<32x80xf32, #tpu.memory_space<vmem>>, %arg5: memref<32x80xi32, #tpu.memory_space<vmem>>, %arg6: memref<32x80xf32, #tpu.memory_space<vmem>>, %arg7: memref<128x512xf32, #tpu.memory_space<vmem>>, %arg8: memref<128x512xf32, #tpu.memory_space<vmem>>, %arg9: memref<128x512xf32, #tpu.memory_space<vmem>>, %arg10: memref<128x512xf32, #tpu.memory_space<vmem>>, %arg11: memref<1x1xf32, #tpu.memory_space<smem>>, %arg12: memref<1x1xf32, #tpu.memory_space<smem>>, %arg13: memref<1xf32, #tpu.memory_space<smem>>, %arg14: memref<1xf32, #tpu.memory_space<smem>>) attributes {dimension_semantics = [#tpu.dimension_semantics<arbitrary>], iteration_bounds = array<i64: 19>, scalar_prefetch = 0 : i64, scratch_operands = 2 : i64, tpu.core_type = #tpu.core_type<tc>, window_params = [{transform_indices = @transform_0, window_bounds = array<i64: 1, 12000, 128>}, {pipeline_mode = #tpu.pipeline_mode<synchronous>, transform_indices = @transform_1, window_bounds = array<i64: 1, 128>}, {pipeline_mode = #tpu.pipeline_mode<synchronous>, transform_indices = @transform_2, window_bounds = array<i64: 1, 128>}, {pipeline_mode = #tpu.pipeline_mode<synchronous>, transform_indices = @transform_3, window_bounds = array<i64: 32, 80>}, {pipeline_mode = #tpu.pipeline_mode<synchronous>, transform_indices = @transform_4, window_bounds = array<i64: 32, 80>}, {pipeline_mode = #tpu.pipeline_mode<synchronous>, transform_indices = @transform_5, window_bounds = array<i64: 32, 80>}, {pipeline_mode = #tpu.pipeline_mode<synchronous>, transform_indices = @transform_6, window_bounds = array<i64: 128, 512>}, {pipeline_mode = #tpu.pipeline_mode<synchronous>, transform_indices = @transform_7, window_bounds = array<i64: 128, 512>}, {pipeline_mode = #tpu.pipeline_mode<synchronous>, transform_indices = @transform_8, window_bounds = array<i64: 128, 512>}, {pipeline_mode = #tpu.pipeline_mode<synchronous>, transform_indices = @transform_9, window_bounds = array<i64: 128, 512>}, {transform_indices = @transform_10, window_bounds = array<i64: 1, 1>}, {transform_indices = @transform_11, window_bounds = array<i64: 1, 1>}]} {
    %get3A = arith.constant 0 : index
    %get3A_0 = arith.constant 0 : index
    %get3A_1 = arith.constant 0 : index
    %get3A_2 = vector.load %arg1[%get3A, %get3A_0, %get3A_1] : memref<1x12000x128xf32, #tpu.memory_space<vmem>>, vector<1x12000x128xf32>
    %get3A_3 = vector.shape_cast %get3A_2 : vector<1x12000x128xf32> to vector<12000x128xf32>
    %exp3A = math.exp %get3A_3 : vector<12000x128xf32>
    %reduce_sum3A = arith.constant dense<0.000000e+00> : vector<128xf32>
    %reduce_sum3A_4 = vector.multi_reduction <add>, %exp3A, %reduce_sum3A [0] : vector<12000x128xf32> to vector<128xf32>
    %log3A = math.log %reduce_sum3A_4 : vector<128xf32>
    %get3A_5 = arith.constant 0 : index
    %get3A_6 = arith.constant 0 : index
    %get3A_7 = vector.load %arg3[%get3A_5, %get3A_6] : memref<1x128xf32, #tpu.memory_space<vmem>>, vector<1x128xf32>
    %get3A_8 = vector.shape_cast %get3A_7 : vector<1x128xf32> to vector<128xf32>
    %get3A_9 = arith.constant 0 : index
    %get3A_10 = arith.constant 0 : index
    %get3A_11 = vector.load %arg2[%get3A_9, %get3A_10] : memref<1x128xi32, #tpu.memory_space<vmem>>, vector<1x128xi32>
    %get3A_12 = vector.shape_cast %get3A_11 : vector<1x128xi32> to vector<128xi32>
    %sub3A = arith.constant 1 : i32
    %sub3A_13 = vector.broadcast %sub3A : i32 to vector<128xi32>
    %sub3A_14 = arith.subi %get3A_12, %sub3A_13 : vector<128xi32>
    %lt3A = vector.broadcast %arg0 : i32 to vector<128xi32>
    %lt3A_15 = arith.cmpi slt, %lt3A, %sub3A_14 : vector<128xi32>
    %eq3A = arith.constant 0 : i32
    %eq3A_16 = arith.cmpi eq, %arg0, %eq3A : i32
    %convert_element_type3A = arith.extui %eq3A_16 : i1 to i32
    %cond3A = arith.constant 0 : i32
    %cond3A_17 = arith.cmpi ne, %convert_element_type3A, %cond3A : i32
    scf.if %cond3A_17 {
      %swap3A_46 = arith.constant 0.000000e+00 : f32
      %swap3A_47 = arith.constant 0 : index
      %swap3A_48 = memref.load %arg13[%swap3A_47] : memref<1xf32, #tpu.memory_space<smem>>
      memref.store %swap3A_46, %arg13[%swap3A_47] : memref<1xf32, #tpu.memory_space<smem>>
      %swap3A_49 = arith.constant 0.000000e+00 : f32
      %swap3A_50 = arith.constant 0 : index
      %swap3A_51 = memref.load %arg14[%swap3A_50] : memref<1xf32, #tpu.memory_space<smem>>
      memref.store %swap3A_49, %arg14[%swap3A_50] : memref<1xf32, #tpu.memory_space<smem>>
      %get3A_52 = arith.constant 0 : index
      %get3A_53 = arith.constant 0 : index
      %get3A_54 = vector.load %arg7[%get3A_52, %get3A_53] : memref<128x512xf32, #tpu.memory_space<vmem>>, vector<128x512xf32>
      %get3A_55 = arith.constant 0 : index
      %get3A_56 = arith.constant 0 : index
      %get3A_57 = vector.load %arg8[%get3A_55, %get3A_56] : memref<128x512xf32, #tpu.memory_space<vmem>>, vector<128x512xf32>
      %get3A_58 = arith.constant 0 : index
      %get3A_59 = arith.constant 0 : index
      %get3A_60 = vector.load %arg9[%get3A_58, %get3A_59] : memref<128x512xf32, #tpu.memory_space<vmem>>, vector<128x512xf32>
      %get3A_61 = arith.constant 0 : index
      %get3A_62 = arith.constant 0 : index
      %get3A_63 = vector.load %arg10[%get3A_61, %get3A_62] : memref<128x512xf32, #tpu.memory_space<vmem>>, vector<128x512xf32>
      %add3A_64 = arith.constant 1.000000e+00 : f32
      %add3A_65 = vector.broadcast %add3A_64 : f32 to vector<128x512xf32>
      %add3A_66 = arith.addf %add3A_65, %get3A_57 : vector<128x512xf32>
      %sub3A_67 = arith.subf %add3A_66, %get3A_63 : vector<128x512xf32>
      %sub3A_68 = arith.subf %get3A_57, %get3A_63 : vector<128x512xf32>
      %exp3A_69 = math.exp %sub3A_68 : vector<128x512xf32>
      %sub3A_70 = arith.subf %sub3A_67, %exp3A_69 : vector<128x512xf32>
      %sub3A_71 = arith.subf %get3A_54, %get3A_60 : vector<128x512xf32>
      %integer_pow3A = arith.mulf %sub3A_71, %sub3A_71 : vector<128x512xf32>
      %neg3A = arith.constant 0.000000e+00 : f32
      %neg3A_72 = vector.broadcast %neg3A : f32 to vector<128x512xf32>
      %neg3A_73 = arith.subf %neg3A_72, %get3A_63 : vector<128x512xf32>
      %exp3A_74 = math.exp %neg3A_73 : vector<128x512xf32>
      %mul3A_75 = arith.mulf %integer_pow3A, %exp3A_74 : vector<128x512xf32>
      %sub3A_76 = arith.subf %sub3A_70, %mul3A_75 : vector<128x512xf32>
      %reduce_sum3A_77 = vector.shape_cast %sub3A_76 : vector<128x512xf32> to vector<1x128x512xf32>
      %reduce_sum3A_78 = arith.constant dense<0.000000e+00> : vector<1xf32>
      %reduce_sum3A_79 = vector.multi_reduction <add>, %reduce_sum3A_77, %reduce_sum3A_78 [1, 2] : vector<1x128x512xf32> to vector<1xf32>
      %reduce_sum3A_80 = vector.shape_cast %reduce_sum3A_79 : vector<1xf32> to vector<1x1x1xf32>
      %reduce_sum3A_81 = vector.extract %reduce_sum3A_80[0, 0, 0] : f32 from vector<1x1x1xf32>
      %mul3A_82 = arith.constant -5.000000e-01 : f32
      %mul3A_83 = arith.mulf %mul3A_82, %reduce_sum3A_81 : f32
      %div3A = arith.constant 1.280000e+02 : f32
      %div3A_84 = arith.divf %mul3A_83, %div3A : f32
      %swap3A_85 = arith.constant 0 : index
      %swap3A_86 = arith.constant 0 : index
      %swap3A_87 = memref.load %arg12[%swap3A_85, %swap3A_86] : memref<1x1xf32, #tpu.memory_space<smem>>
      memref.store %div3A_84, %arg12[%swap3A_85, %swap3A_86] : memref<1x1xf32, #tpu.memory_space<smem>>
    } else {
    }
    %get3A_18 = arith.constant 0 : index
    %get3A_19 = memref.load %arg13[%get3A_18] : memref<1xf32, #tpu.memory_space<smem>>
    %mul3A = arith.mulf %log3A, %get3A_8 : vector<128xf32>
    %jit3A = arith.constant 0.000000e+00 : f32
    %broadcast_in_dim3A = vector.broadcast %jit3A : f32 to vector<128xf32>
    %select_n3A = arith.select %lt3A_15, %mul3A, %broadcast_in_dim3A : vector<128xi1>, vector<128xf32>
    %reduce_sum3A_20 = vector.shape_cast %select_n3A : vector<128xf32> to vector<1x128xf32>
    %reduce_sum3A_21 = arith.constant dense<0.000000e+00> : vector<1xf32>
    %reduce_sum3A_22 = vector.multi_reduction <add>, %reduce_sum3A_20, %reduce_sum3A_21 [1] : vector<1x128xf32> to vector<1xf32>
    %reduce_sum3A_23 = vector.shape_cast %reduce_sum3A_22 : vector<1xf32> to vector<1x1xf32>
    %reduce_sum3A_24 = vector.extract %reduce_sum3A_23[0, 0] : f32 from vector<1x1xf32>
    %add3A = arith.addf %get3A_19, %reduce_sum3A_24 : f32
    %swap3A = arith.constant 0 : index
    %swap3A_25 = memref.load %arg13[%swap3A] : memref<1xf32, #tpu.memory_space<smem>>
    memref.store %add3A, %arg13[%swap3A] : memref<1xf32, #tpu.memory_space<smem>>
    %get3A_26 = arith.constant 0 : index
    %get3A_27 = memref.load %arg14[%get3A_26] : memref<1xf32, #tpu.memory_space<smem>>
    %jit3A_28 = arith.constant 1.000000e+00 : f32
    %jit3A_29 = arith.constant 0.000000e+00 : f32
    %broadcast_in_dim3A_30 = vector.broadcast %jit3A_28 : f32 to vector<128xf32>
    %broadcast_in_dim3A_31 = vector.broadcast %jit3A_29 : f32 to vector<128xf32>
    %select_n3A_32 = arith.select %lt3A_15, %broadcast_in_dim3A_30, %broadcast_in_dim3A_31 : vector<128xi1>, vector<128xf32>
    %reduce_sum3A_33 = vector.shape_cast %select_n3A_32 : vector<128xf32> to vector<1x128xf32>
    %reduce_sum3A_34 = arith.constant dense<0.000000e+00> : vector<1xf32>
    %reduce_sum3A_35 = vector.multi_reduction <add>, %reduce_sum3A_33, %reduce_sum3A_34 [1] : vector<1x128xf32> to vector<1xf32>
    %reduce_sum3A_36 = vector.shape_cast %reduce_sum3A_35 : vector<1xf32> to vector<1x1xf32>
    %reduce_sum3A_37 = vector.extract %reduce_sum3A_36[0, 0] : f32 from vector<1x1xf32>
    %add3A_38 = arith.addf %get3A_27, %reduce_sum3A_37 : f32
    %swap3A_39 = arith.constant 0 : index
    %swap3A_40 = memref.load %arg14[%swap3A_39] : memref<1xf32, #tpu.memory_space<smem>>
    memref.store %add3A_38, %arg14[%swap3A_39] : memref<1xf32, #tpu.memory_space<smem>>
    %eq3A_41 = arith.constant 18 : i32
    %eq3A_42 = arith.cmpi eq, %arg0, %eq3A_41 : i32
    %convert_element_type3A_43 = arith.extui %eq3A_42 : i1 to i32
    %cond3A_44 = arith.constant 0 : i32
    %cond3A_45 = arith.cmpi ne, %convert_element_type3A_43, %cond3A_44 : i32
    scf.if %cond3A_45 {
      %get3A_46 = arith.constant 0 : index
      %get3A_47 = arith.constant 0 : index
      %get3A_48 = vector.load %arg4[%get3A_46, %get3A_47] : memref<32x80xf32, #tpu.memory_space<vmem>>, vector<32x80xf32>
      %get3A_49 = arith.constant 0 : index
      %get3A_50 = arith.constant 0 : index
      %get3A_51 = vector.load %arg5[%get3A_49, %get3A_50] : memref<32x80xi32, #tpu.memory_space<vmem>>, vector<32x80xi32>
      %get3A_52 = arith.constant 0 : index
      %get3A_53 = arith.constant 0 : index
      %get3A_54 = vector.load %arg6[%get3A_52, %get3A_53] : memref<32x80xf32, #tpu.memory_space<vmem>>, vector<32x80xf32>
      %iota3A = tpu.iota {dimensions = array<i32: 1>} : vector<32x80xi32>
      %iota3A_55 = tpu.iota {dimensions = array<i32: 0>} : vector<32x80xi32>
      %mul3A_56 = arith.constant 76 : i32
      %mul3A_57 = vector.broadcast %mul3A_56 : i32 to vector<32x80xi32>
      %mul3A_58 = arith.muli %iota3A_55, %mul3A_57 : vector<32x80xi32>
      %add3A_59 = arith.addi %mul3A_58, %iota3A : vector<32x80xi32>
      %jit3A_60 = arith.constant 19 : i32
      %eq3A_61 = arith.constant 0 : i32
      %eq3A_62 = arith.cmpi eq, %jit3A_60, %eq3A_61 : i32
      %jit3A_63 = arith.constant 1 : i32
      %select_n3A_64 = arith.select %eq3A_62, %jit3A_63, %jit3A_60 : i32
      %rem3A = vector.broadcast %select_n3A_64 : i32 to vector<32x80xi32>
      %rem3A_65 = arith.remsi %add3A_59, %rem3A : vector<32x80xi32>
      %ne3A = arith.constant 0 : i32
      %ne3A_66 = vector.broadcast %ne3A : i32 to vector<32x80xi32>
      %ne3A_67 = arith.cmpi ne, %rem3A_65, %ne3A_66 : vector<32x80xi32>
      %lt3A_68 = arith.constant 0 : i32
      %lt3A_69 = vector.broadcast %lt3A_68 : i32 to vector<32x80xi32>
      %lt3A_70 = arith.cmpi slt, %rem3A_65, %lt3A_69 : vector<32x80xi32>
      %lt3A_71 = arith.constant 0 : i32
      %lt3A_72 = arith.cmpi slt, %select_n3A_64, %lt3A_71 : i32
      %ne3A_73 = vector.broadcast %lt3A_72 : i1 to vector<32x80xi1>
      %ne3A_74 = vector.broadcast %ne3A_73 : vector<32x80xi1> to vector<32x80xi1>
      %ne3A_75 = arith.xori %lt3A_70, %ne3A_74 : vector<32x80xi1>
      %and3A = arith.andi %ne3A_75, %ne3A_67 : vector<32x80xi1>
      %add3A_76 = vector.broadcast %select_n3A_64 : i32 to vector<32x80xi32>
      %add3A_77 = arith.addi %rem3A_65, %add3A_76 : vector<32x80xi32>
      %select_n3A_78 = arith.select %and3A, %add3A_77, %rem3A_65 : vector<32x80xi1>, vector<32x80xi32>
      %lt3A_79 = arith.constant 76 : i32
      %lt3A_80 = vector.broadcast %lt3A_79 : i32 to vector<32x80xi32>
      %lt3A_81 = arith.cmpi slt, %iota3A, %lt3A_80 : vector<32x80xi32>
      %sub3A_82 = arith.constant 1 : i32
      %sub3A_83 = vector.broadcast %sub3A_82 : i32 to vector<32x80xi32>
      %sub3A_84 = arith.subi %get3A_51, %sub3A_83 : vector<32x80xi32>
      %lt3A_85 = arith.cmpi slt, %select_n3A_78, %sub3A_84 : vector<32x80xi32>
      %and3A_86 = arith.andi %lt3A_81, %lt3A_85 : vector<32x80xi1>
      %mul3A_87 = arith.mulf %get3A_48, %get3A_54 : vector<32x80xf32>
      %jit3A_88 = arith.constant 0.000000e+00 : f32
      %broadcast_in_dim3A_89 = vector.broadcast %jit3A_88 : f32 to vector<32x80xf32>
      %select_n3A_90 = arith.select %and3A_86, %mul3A_87, %broadcast_in_dim3A_89 : vector<32x80xi1>, vector<32x80xf32>
      %reduce_sum3A_91 = vector.shape_cast %select_n3A_90 : vector<32x80xf32> to vector<1x32x80xf32>
      %reduce_sum3A_92 = arith.constant dense<0.000000e+00> : vector<1xf32>
      %reduce_sum3A_93 = vector.multi_reduction <add>, %reduce_sum3A_91, %reduce_sum3A_92 [1, 2] : vector<1x32x80xf32> to vector<1xf32>
      %reduce_sum3A_94 = vector.shape_cast %reduce_sum3A_93 : vector<1xf32> to vector<1x1x1xf32>
      %reduce_sum3A_95 = vector.extract %reduce_sum3A_94[0, 0, 0] : f32 from vector<1x1x1xf32>
      %get3A_96 = arith.constant 0 : index
      %get3A_97 = memref.load %arg13[%get3A_96] : memref<1xf32, #tpu.memory_space<smem>>
      %sub3A_98 = arith.subf %reduce_sum3A_95, %get3A_97 : f32
      %neg3A = arith.constant 0.000000e+00 : f32
      %neg3A_99 = arith.subf %neg3A, %sub3A_98 : f32
      %get3A_100 = arith.constant 0 : index
      %get3A_101 = memref.load %arg14[%get3A_100] : memref<1xf32, #tpu.memory_space<smem>>
      %div3A = arith.divf %neg3A_99, %get3A_101 : f32
      %swap3A_102 = arith.constant 0 : index
      %swap3A_103 = arith.constant 0 : index
      %swap3A_104 = memref.load %arg11[%swap3A_102, %swap3A_103] : memref<1x1xf32, #tpu.memory_space<smem>>
      memref.store %div3A, %arg11[%swap3A_102, %swap3A_103] : memref<1x1xf32, #tpu.memory_space<smem>>
    } else {
    }
    return
  }
  func.func @transform_0(%arg0: i32) -> (i32, i32, i32) {
    %c0_i32 = arith.constant 0 : i32
    %c0_i32_0 = arith.constant 0 : i32
    %c0_i32_1 = arith.constant 0 : i32
    return %arg0, %c0_i32, %c0_i32_0 : i32, i32, i32
  }
  func.func @transform_1(%arg0: i32) -> (i32, i32) {
    %c0_i32 = arith.constant 0 : i32
    %c0_i32_0 = arith.constant 0 : i32
    %c0_i32_1 = arith.constant 0 : i32
    return %c0_i32, %c0_i32_0 : i32, i32
  }
  func.func @transform_2(%arg0: i32) -> (i32, i32) {
    %c0_i32 = arith.constant 0 : i32
    %c0_i32_0 = arith.constant 0 : i32
    %c0_i32_1 = arith.constant 0 : i32
    return %c0_i32, %c0_i32_0 : i32, i32
  }
  func.func @transform_3(%arg0: i32) -> (i32, i32) {
    %c0_i32 = arith.constant 0 : i32
    %c0_i32_0 = arith.constant 0 : i32
    %c0_i32_1 = arith.constant 0 : i32
    return %c0_i32, %c0_i32_0 : i32, i32
  }
  func.func @transform_4(%arg0: i32) -> (i32, i32) {
    %c0_i32 = arith.constant 0 : i32
    %c0_i32_0 = arith.constant 0 : i32
    %c0_i32_1 = arith.constant 0 : i32
    return %c0_i32, %c0_i32_0 : i32, i32
  }
  func.func @transform_5(%arg0: i32) -> (i32, i32) {
    %c0_i32 = arith.constant 0 : i32
    %c0_i32_0 = arith.constant 0 : i32
    %c0_i32_1 = arith.constant 0 : i32
    return %c0_i32, %c0_i32_0 : i32, i32
  }
  func.func @transform_6(%arg0: i32) -> (i32, i32) {
    %c0_i32 = arith.constant 0 : i32
    %c0_i32_0 = arith.constant 0 : i32
    %c0_i32_1 = arith.constant 0 : i32
    return %c0_i32, %c0_i32_0 : i32, i32
  }
  func.func @transform_7(%arg0: i32) -> (i32, i32) {
    %c0_i32 = arith.constant 0 : i32
    %c0_i32_0 = arith.constant 0 : i32
    %c0_i32_1 = arith.constant 0 : i32
    return %c0_i32, %c0_i32_0 : i32, i32
  }
  func.func @transform_8(%arg0: i32) -> (i32, i32) {
    %c0_i32 = arith.constant 0 : i32
    %c0_i32_0 = arith.constant 0 : i32
    %c0_i32_1 = arith.constant 0 : i32
    return %c0_i32, %c0_i32_0 : i32, i32
  }
  func.func @transform_9(%arg0: i32) -> (i32, i32) {
    %c0_i32 = arith.constant 0 : i32
    %c0_i32_0 = arith.constant 0 : i32
    %c0_i32_1 = arith.constant 0 : i32
    return %c0_i32, %c0_i32_0 : i32, i32
  }
  func.func @transform_10(%arg0: i32) -> (i32, i32) {
    %c0_i32 = arith.constant 0 : i32
    %c0_i32_0 = arith.constant 0 : i32
    %c0_i32_1 = arith.constant 0 : i32
    return %c0_i32, %c0_i32_0 : i32, i32
  }
  func.func @transform_11(%arg0: i32) -> (i32, i32) {
    %c0_i32 = arith.constant 0 : i32
    %c0_i32_0 = arith.constant 0 : i32
    %c0_i32_1 = arith.constant 0 : i32
    return %c0_i32, %c0_i32_0 : i32, i32
  }
}

</mosaic_0001>

<sc_bundles>
// kernel: kernel.4.cloned.1.call-start
scs
__scs_entry_jumppad:
0x0: {  	(pc) =	sbr.rel $0x88, $3  }
0x1: {  	(tag) =	ssettag $0x0;
	lr =	simm.s32 $0x1  }
0x2: {  	[smem:$0x3F99] =	sst lr;
	_ =	strace $0xD0000000  }
0x3: {  	_ = 	snop  }
0x4: {  	_ = 	snop  }
0x5: {  	_ = 	snop  }
0x6: {  	_ = 	snop  }
0x7: {  	_ = 	snop  }
__scs_overlays_trampoline_lowered:
0x8: {  	[smem:$0x3FA8] =	sst s0  }
0x9: {  	[smem:$0x3FA9] =	sst s1  }
0xa: {  	[smem:$0x3FAA] =	sst s2  }
0xb: {  	[smem:$0x3FAB] =	sst s3  }
0xc: {  	[smem:$0x3FAC] =	sst s4  }
0xd: {  	[smem:$0x3FAD] =	sst s5  }
0xe: {  	[smem:$0x3FAE] =	sst s6  }
0xf: {  	[smem:$0x3FAF] =	sst s7  }
0x10: {  	[smem:$0x3FB0] =	sst s8  }
0x11: {  	[smem:$0x3FB1] =	sst s9;
	s0 =	simm.s32 @!p0 $0x0  }
0x12: {  	s1 =	sld [smem:$0x3F97];
	s0 =	simm.s32 @p0 $0x1  }
0x13: {  	[smem:$0x3FB2] =	sst s0;
	s0 =	simm.s32 @!p1 $0x0  }
0x14: {  	s2 =	sld [smem:$0x3F96];
	s0 =	simm.s32 @p1 $0x1  }
0x15: {  	[smem:$0x3FB3] =	sst s0;
	s0 =	simm.s32 @!p2 $0x0  }
0x16: {  	s3 =	sld [smem:$0x3FDB];
	s0 =	simm.s32 @p2 $0x1  }
0x17: {  	s4 =	simm.s32 $0x1BF5;
	[smem:$0x3FB5] =	sst s0  }
0x18: {  	s0 =	sld [smem:$0x3F98];
	_ =	swait.ge [sflag:s4], $0x0  }
0x19: {  	s7 =	sld [smem:$0x3F99]  }
0x1a: {  	s8 =	sadd.s32 $0xFFFFE003, lr  }
0x1b: {  	s9 =	sadd.s32 $0xFFFFFEF7, lr;
	s5 =	simm.s32 $0xFFFFFFFF;
	p2 =	slt.u32 s8, $0xFFFFF086  }
0x1c: {  	p1 =	slt.u32 s9, $0xF7A;
	s5 =	simm.s32 @!p2 $0x0  }
0x1d: {  	s5 =	simm.s32 @p1 $0x1;
	p0 =	seq.s32 s7, s2  }
0x1e: {  	s7 =	smul.u32 @!p0 $0xF7A, s2;
	p2 =	seq.s32 @!p0 s5, $0x0  }
0x1f: {  	s9 =	smul.u32 $0xF7A, s1;
	s8 =	simm.s32 @!p0 $0x1BF5;
	p2 =	por !p2, p0  }
0x20: {  	[sflag:s8] =	ssyncset.s32 @!p0 $0xFFFFF086;
	s6 =	sadd.s32 @!p0 s3, s7;
	s7 =	simm.s32 @!p0 $0x108  }
0x21: {  	s3 =	sadd.s32 s3, s9;
	s6 =	sadd.s32 @!p0 $0x88, s6;
	s7 =	simm.s32 @p2 $0x1082  }
0x22: {  	[simem:s7], [sflag:s8] =	dma.local @!p0 [hbm:s6], $0xF7A  }
0x23: {  	s9 =	sor.u32 $0xD0000000, s2;
	s6 =	simm.s32 $0x108;
	_ =	swait.ge @!p0 [sflag:s8], $0x0  }
0x24: {  	s3 =	sadd.s32 $0x88, s3;
	s6 =	simm.s32 @!p1 $0x1082;
	[sflag:s4] =	ssyncset.s32 $0xFFFFF086  }
0x25: {  	[simem:s6], [sflag:s4] =	dma.local [hbm:s3], $0xF7A  }
0x26: {  	[smem:$0x3F99] =	sst s1;
	(tag) =	ssettag s2;
	_ =	strace s9  }
0x27: {  	s1 =	sld [smem:$0x3FA9]  }
0x28: {  	s2 =	sld [smem:$0x3FAA]  }
0x29: {  	s4 =	sld [smem:$0x3FAC]  }
0x2a: {  	p0 =	seq.s32 s5, $0x0;
	s5 =	sld [smem:$0x3FAD]  }
0x2b: {  	s6 =	sld [smem:$0x3FAE]  }
0x2c: {  	s7 =	sld [smem:$0x3FAF]  }
0x2d: {  	s3 =	simm.s32 $0x108;
	s8 =	sld [smem:$0x3FB0]  }
0x2e: {  	s3 =	simm.s32 @!p0 $0x1082;
	s9 =	sld [smem:$0x3FB1]  }
0x2f: {  	lr =	sadd.s32 s0, s3;
	s0 =	sld [smem:$0x3FA8]  }
0x30: {  	s3 =	sld [smem:$0x3FAB]  }
0x31: {  	[smem:$0x3FB4] =	sst s10  }
0x32: {  	s10 =	sld [smem:$0x3FB2];
	_ =	sdelay $0x3  }
0x33: {  	p0 =	seq.s32 s10, $0x1;
	s10 =	sld [smem:$0x3FB4];
	_ =	sdelay $0x3  }
0x34: {  	[smem:$0x3FB4] =	sst s10  }
0x35: {  	s10 =	sld [smem:$0x3FB3];
	_ =	sdelay $0x3  }
0x36: {  	p1 =	seq.s32 s10, $0x1;
	s10 =	sld [smem:$0x3FB4];
	_ =	sdelay $0x3  }
0x37: {  	[smem:$0x3FB4] =	sst s10  }
0x38: {  	s10 =	sld [smem:$0x3FB5]  }
0x39: {  	_ = 	snop;
	(pc) =	sbr.ind lr, $3  }
0x3a: {  	_ = 	snop  }
0x3b: {  	_ = 	snop  }
0x3c: {  	p2 =	seq.s32 s10, $0x1;
	s10 =	sld [smem:$0x3FB4]  }
0x3d: {  	_ =	shalt  }
0x3e: {  	_ =	shalt  }
0x3f: {  	_ =	shalt  }
0x40: {  	_ =	shalt  }
0x41: {  	_ =	shalt  }
0x42: {  	_ =	shalt  }
0x43: {  	_ =	shalt  }
0x44: {  	_ =	shalt  }
0x45: {  	_ =	shalt  }
0x46: {  	_ =	shalt  }
0x47: {  	_ =	shalt  }
0x48: {  	_ =	shalt  }
0x49: {  	_ =	shalt  }
0x4a: {  	_ =	shalt  }
0x4b: {  	_ =	shalt  }
0x4c: {  	_ =	shalt  }
0x4d: {  	_ =	shalt  }
0x4e: {  	_ =	shalt  }
0x4f: {  	_ =	shalt  }
0x50: {  	_ =	shalt  }
0x51: {  	_ =	shalt  }
0x52: {  	_ =	shalt  }
0x53: {  	_ =	shalt  }
0x54: {  	_ =	shalt  }
0x55: {  	_ =	shalt  }
0x56: {  	_ =	shalt  }
0x57: {  	_ =	shalt  }
0x58: {  	_ =	shalt  }
0x59: {  	_ =	shalt  }
0x5a: {  	_ =	shalt  }
0x5b: {  	_ =	shalt  }
0x5c: {  	_ =	shalt  }
0x5d: {  	_ =	shalt  }
0x5e: {  	_ =	shalt  }
0x5f: {  	_ =	shalt  }
0x60: {  	_ =	shalt  }
0x61: {  	_ =	shalt  }
0x62: {  	_ =	shalt  }
0x63: {  	_ =	shalt  }
0x64: {  	_ =	shalt  }
0x65: {  	_ =	shalt  }
0x66: {  	_ =	shalt  }
0x67: {  	_ =	shalt  }
0x68: {  	_ =	shalt  }
0x69: {  	_ =	shalt  }
0x6a: {  	_ =	shalt  }
0x6b: {  	_ =	shalt  }
0x6c: {  	_ =	shalt  }
0x6d: {  	_ =	shalt  }
0x6e: {  	_ =	shalt  }
0x6f: {  	_ =	shalt  }
0x70: {  	_ =	shalt  }
0x71: {  	_ =	shalt  }
0x72: {  	_ =	shalt  }
0x73: {  	_ =	shalt  }
0x74: {  	_ =	shalt  }
0x75: {  	_ =	shalt  }
0x76: {  	_ =	shalt  }
0x77: {  	_ =	shalt  }
0x78: {  	_ =	shalt  }
0x79: {  	_ =	shalt  }
0x7a: {  	_ =	shalt  }
0x7b: {  	_ =	shalt  }
0x7c: {  	_ =	shalt  }
0x7d: {  	_ =	shalt  }
0x7e: {  	_ =	shalt  }
0x7f: {  	_ =	shalt  }
0x80: {  	_ =	shalt  }
0x81: {  	_ =	shalt  }
0x82: {  	_ =	shalt  }
0x83: {  	_ =	shalt  }
0x84: {  	_ =	shalt  }
0x85: {  	_ =	shalt  }
0x86: {  	_ =	shalt  }
0x87: {  	_ =	shalt  }
.Lfunc_end0:
.L_simem_size_0:
called_computation_lowered:
.L_overlay_start_0:
0x88: {  	s2 =	sld [smem:$0x3FD9]  }
0x89: {  	s3 =	sld [smem:$0x3FFE];
	_ =	sdelay $0x1  }
0x8a: {  	s1 =	srdreg.scid  }
0x8b: {  	s0 =	sand.u32 $0x1, s1  }
0x8c: {  	s17 =	sshll.u32 s0, $0xA;
	s2 =	sadd.s32 s3, s2  }
0x8d: {  	s2 =	sadd.s32 s2, s17  }
0x8e: {  	[smem:$0x3FC0] =	sst s2  }
0x8f: {  	_ = 	snop  }
0x90: {  	s2 =	sld [smem:$0x3FC9];
	(tm) =	ssettm $0x1  }
0x91: {  	s18 =	sld [smem:$0x3FFB];
	_ =	sdelay $0x3  }
0x92: {  	_ =	strace s18  }
0x93: {  	s3 =	sld [smem:$0x3FFC];
	_ =	sdelay $0x3  }
0x94: {  	_ =	strace s3  }
0x95: {  	s3 =	sld [smem:$0x3FFD];
	_ =	sdelay $0x3  }
0x96: {  	_ =	strace s3  }
0x97: {  	_ =	strace $0x8FFFFFFF  }
0x98: {  	s19 =	sld [smem:$0x3FDB];
	_ =	sdelay $0x1  }
0x99: {  	s4 =	simm.s32 $_scs_section_size  }
0x9a: {  	s5 =	simm.s32 $_size__tile_overlayer_lowered;
	s6 =	simm.s32 $_tile_overlayer_lowered  }
0x9b: {  	s22 =	simm.s32 $0x1BFF;
	s21 =	sshll.u32 s6, $0x1;
	s3 =	sadd.s32 s4, s19  }
0x9c: {  	s7 =	simm.s32 $0x0;
	s20 =	sshll.u32 s5, $0x1;
	s5 =	sadd.s32 s21, s3  }
0x9d: {  	[timem:s7], [sflag:s22] =	dma.local [hbm:s5], s20  }
0x9e: {  	_ =	swait.ge [sflag:s22], s20  }
0x9f: {  	s4 =	ssub.s32 $0x0, s20;
	[sflag:s22] =	ssyncset.done $0x0  }
0xa0: {  	[sflag:s22] =	ssyncadd.s32 s4;
	_ =	sdelay $0x1  }
0xa1: {  	s23 =	simm.s32 $0x1B8B  }
0xa2: {  	_ =	swait.ge [sflag:s23], $0x1  }
0xa3: {  	[sflag:s23] =	ssyncset.done $0x0  }
0xa4: {  	s25 =	simm.s32 $0x1B8E;
	s24 =	sld [smem:$0x3FFE];
	[sflag:s23] =	ssyncadd.s32 $0xFFFFFFFF  }
0xa5: {  	s26 =	simm.s32 $execute0_lowered;
	[smem:$0x3FD2] =	sst s25  }
0xa6: {  	s5 =	sshll.u32 s26, $0x1;
	_ =	strace $0x80000046;
	[dreg:$0x1] =	wrdreg $0xFFFFFFFF  }
0xa7: {  	s28 =	simm.s32 $_size_execute0_lowered;
	s3 =	sadd.s32 s3, s5;
	[dreg:$0x0] =	wrdreg $0x0  }
0xa8: {  	s5 =	sshll.u32 s28, $0x1;
	[dreg:$0x2] =	wrdreg s3  }
0xa9: {  	[dreg:$0x3] =	wrdreg s5  }
0xaa: {  	[dreg:$0x4] =	wrdreg $0xC0  }
0xab: {  	_ =	task [dreg:s7], $0x5FFFF  }
0xac: {  	[dreg:$0x1] =	wrdreg $0xFFFFFFFF  }
0xad: {  	[dreg:$0x0] =	wrdreg $0x60  }
0xae: {  	[dreg:$0x2] =	wrdreg s2  }
0xaf: {  	[dreg:$0x3] =	wrdreg s24  }
0xb0: {  	[dreg:$0x4] =	wrdreg $0x9  }
0xb1: {  	_ =	task.clear_ibuf [dreg:s7], $0x5FFFF;
	_ =	strace $0x90000046  }
0xb2: {  	s29 =	simm.s32 $0x9;
	_ =	strace $0x80000048  }
0xb3: {  	_ =	swait.ge [sflag:s29], $0x1  }
0xb4: {  	[sflag:s29] =	ssyncadd.s32 $0xFFFFFFFF  }
0xb5: {  	_ =	strace $0x90000048  }
0xb6: {  	_ =	sfence  }
0xb7: {  	s30 =	sld [smem:$0x0];
	_ =	sdelay $0x2  }
0xb8: {  	s31 =	sshll.u32 s1, $0xD;
	s1 =	sshrl.u32 s1, $0x2  }
0xb9: {  	s3 =	sand.u32 $0x4000, s31;
	s1 =	sadd.s32 s1, s30  }
0xba: {  	s0 =	sor.u32 s3, s0;
	s1 =	sshll.u32 s1, $0x11  }
0xbb: {  	s0 =	sor.u32 s1, s0  }
0xbc: {  	s0 =	sadd.s32 $0x8F2B, s0  }
0xbd: {  	[sflag:s0] =	ssyncadd.remote.s32 $0x1  }
0xbe: {  	_ =	sfence.sel $0xFFFF  }
0xbf: {  	[dreg:$0x0] =	wrdreg $0xFFFFFFFF;
	(pc) =	sbr.abs _section_cstart, $3  }
0xc0: {  	[dreg:$0x1] =	wrdreg $0xFFFFFFFF  }
0xc1: {  	_ =	task.clear_ibuf [dreg:s7], $0x2FFFF;
	_ =	strace $0x9FFFFFFF  }
0xc2: {  	(tm) =	ssettm $0x7FFFFFFF  }
0xc3: {  	_ =	shalt  }
tec
execute0_lowered:
.L_overlay_start_1:
0x0: {  	(tag) =	ssettag $0x1  }
0x1: {  	s1 =	srdreg.scid;
	s2 =	rddreg [dreg:$0x0]  }
0x2: {  	s0 =	stileid.u32;
	s4 =	rddreg [dreg:$0x1];
	s6 =	sand.u32 $0x1, s1  }
0x3: {  	s3 =	simm.s32 $0x0;
	s5 =	sshll.u32 s0, $0x5;
	s7 =	sshll.u32 s6, $0x4  }
0x4: {  	[smem:$0x7FF] =	sst s3;
	s5 =	sor.u32 s7, s5  }
0x5: {  	s1 =	rddreg [dreg:$0x2];
	_ =	strace $0x80000047;
	s9 =	sadd.s32 s5, s4  }
0x6: {  	s10 =	ssub.s32 $0x2, s6;
	s4 =	simm.s32 $0x2;
	s5 =	sadd.s32 $0x1400, s9  }
0x7: {  	[tilespmem:s3], [sflag:$0x2] =	stream.linear.gather [hbm4b:s5+s3], $0x80, $0x38;
	[tilespmem:$0x100] =	vst v63  }
0x8: {  	s8 =	simm.s32 $0x1;
	s11 =	sshrl.u32 s10, $0x1;
	_ =	swait.ge [sflag:s4], $0x80  }
0x9: {  	s6 =	simm.s32 $0x50;
	s10 =	ssub.s32 s10, s11;
	[sflag:s4] =	ssyncset.done $0x0  }
0xa: {  	s7 =	simm.s32 $0x80;
	s10 =	smax.u32 s10, $0x1;
	[sflag:s4] =	ssyncadd.s32 $0xFFFFFF80  }
0xb: {  	[tilespmem:s7], [sflag:$0x1] =	stream.indirect.gather [hbm4b:s2+s6], $0x1, s3, s6, $0xb8;
	[tilespmem:$0x100] =	vst v63  }
0xc: {  	p0 =	sne.s32 s10, $0x1;
	_ =	swait.ge [sflag:s8], $0x50  }
.Ltmp0:
0xd: {  	[sflag:s8] =	ssyncset.done $0x0;
	(pc) =	sbr.rel @!p0 .LBB2_2-.Ltmp0, $4  }
0xe: {  	s9 =	sadd.s32 $0x1600, s9;
	[sflag:s8] =	ssyncadd.s32 $0xFFFFFFB0  }
0xf: {  	[hbm4b:s9+s3] =	stream.linear.scatter [tilespmem:s7], [sflag:$0x2], $0x80, $0x38;
	[tilespmem:$0x100] =	vst v63  }
0x10: {  	_ =	swait.ge [sflag:s4], $0x80  }
0x11: {  	s10 =	sadd.s32 $0xFFFFFFFF, s10;
	[sflag:s4] =	ssyncset.done $0x0  }
.LBB2_1:
0x12: {  	p0 =	sne.s32 s10, $0x1;
	s10 =	sadd.s32 $0xFFFFFFFF, s10;
	[sflag:s4] =	ssyncadd.s32 $0xFFFFFF80  }
0x13: {  	[tilespmem:s3], [sflag:$0x2] =	stream.linear.gather [hbm4b:s5+s3], $0x80, $0x38;
	[tilespmem:$0x100] =	vst v63  }
0x14: {  	_ =	swait.ge [sflag:s4], $0x80  }
0x15: {  	[sflag:s4] =	ssyncset.done $0x0  }
0x16: {  	[sflag:s4] =	ssyncadd.s32 $0xFFFFFF80  }
0x17: {  	[tilespmem:s7], [sflag:$0x1] =	stream.indirect.gather [hbm4b:s2+s6], $0x1, s3, s6, $0xb8;
	[tilespmem:$0x100] =	vst v63  }
0x18: {  	_ =	swait.ge [sflag:s8], $0x50  }
.Ltmp1:
0x19: {  	[sflag:s8] =	ssyncset.done $0x0;
	(pc) =	sbr.rel @p0 .LBB2_1-.Ltmp1, $4  }
0x1a: {  	[sflag:s8] =	ssyncadd.s32 $0xFFFFFFB0  }
0x1b: {  	[hbm4b:s9+s3] =	stream.linear.scatter [tilespmem:s7], [sflag:$0x2], $0x80, $0x38;
	[tilespmem:$0x100] =	vst v63  }
0x1c: {  	_ =	swait.ge [sflag:s4], $0x80  }
0x1d: {  	[sflag:s4] =	ssyncset.done $0x0  }
.LBB2_2:
0x1e: {  	[sflag:s4] =	ssyncadd.s32 $0xFFFFFF80  }
0x1f: {  	_ =	sfence.sel $0x180000  }
0x20: {  	[bflag:$0x0] =	sbarrier.arrive $0xFFFF  }
0x21: {  	p0 =	sne.s32 s0, $0x0;
	_ =	strace $0x90000047  }
0x22: {  	s0 =	sadd.s32 @!p0 $0x100000, s1;
	[bflag:$0x2] =	sbarrier.arrive $0xFFFF  }
0x23: {  	[sflag:s0] =	ssyncadd.tile.s32 @!p0 $0x1;
	_ =	shalt  }
.Lfunc_end2:
_tile_overlayer_lowered:
.L_overlay_start_2:
0x24: {  	(tag) =	ssettag $0x2  }
0x25: {  	s0 =	rddreg [dreg:$0x0];
	s2 =	stileid.u32  }
0x26: {  	s1 =	rddreg [dreg:$0x1];
	p0 =	sne.s32 s2, $0x0  }
0x27: {  	s3 =	rddreg [dreg:$0x2];
	[bflag:$0x3] =	sbarrier.arrive $0xFFFF;
	s2 =	simm.s32 @!p0 $0x1C02  }
0x28: {  	[timem:s3], [sflag:s2] =	dma.local @!p0 [hbm:s0], s1  }
0x29: {  	s0 =	simm.s32 @!p0 $0x2  }
0x2a: {  	_ =	swait.ge @!p0 [sflag:s0], s1  }
0x2b: {  	s1 =	ssub.s32 @!p0 $0x0, s1;
	[sflag:s0] =	ssyncset.done @!p0 $0x0  }
0x2c: {  	[sflag:s0] =	ssyncadd.s32 @!p0 s1  }
0x2d: {  	[bflag:$0x3] =	sbarrier.arrive $0xFFFF  }
0x2e: {  	_ =	shalt  }

</sc_bundles>
